<compile_context>
chip_gen: v7x
topology: tpu7x:2x2x1
jax: 0.10.2.dev20260603
libtpu: 0.0.44.dev20260713+nightly
codegen_flags: <defaults>
</compile_context>

<pallas_src>
import jax
import jax.numpy as jnp
from jax import lax
from jax.experimental import pallas as pl
from jax.experimental.pallas import tpu as pltpu
from jax.experimental.pallas import tpu_sc as plsc

N = 500000
H = 128
NUM_Z = 100
M = 16384
NZP = 128

B = 8192
G = (N + B - 1) // B
NP = G * B

NW = 32
CHUNK = NP // NW
NVEC = CHUNK // 16


def _dense_body(z_ref, pos_ref, emb_ref, w1_ref, wp_ref, b1_ref, w2_ref,
                b2_ref, x_ref):
    g = pl.program_id(0)
    tab = jnp.dot(emb_ref[...], w1_ref[...],
                  preferred_element_type=jnp.float32) + b1_ref[...]
    zb = z_ref[0].astype(jnp.int16)
    ki = lax.broadcasted_iota(jnp.int16, (NZP, B), 0)
    oh = jnp.where(ki == zb, jnp.bfloat16(1), jnp.bfloat16(0))
    tab_hi = tab.astype(jnp.bfloat16)
    tab_lo = (tab - tab_hi.astype(jnp.float32)).astype(jnp.bfloat16)
    wp = wp_ref[...]
    wp_hi = wp.astype(jnp.bfloat16)
    wp_lo = (wp - wp_hi.astype(jnp.float32)).astype(jnp.bfloat16)
    po = pos_ref[...]
    po_hi = po.astype(jnp.bfloat16)
    po_lo = (po - po_hi.astype(jnp.float32)).astype(jnp.bfloat16)
    lhs = jnp.concatenate([tab_hi, tab_lo, wp_hi, wp_hi, wp_lo], axis=0)
    rhs = jnp.concatenate([oh, oh, po_hi, po_lo, po_hi], axis=0)
    a = lax.dot_general(lhs, rhs, (((0,), (0,)), ((), ())),
                        preferred_element_type=jnp.float32)
    s = a * (0.5 * jnp.tanh(a * 0.5) + 0.5)
    xT = lax.dot_general(w2_ref[...], s, (((1,), (0,)), ((), ())),
                         preferred_element_type=jnp.float32)
    xT = xT + b2_ref[0, 0]
    idx = lax.broadcasted_iota(jnp.int32, (1, B), 1) + g * B
    x_ref[...] = jnp.where(idx < N, xT, 0.0).reshape(1, 1, B)


def _dense_stage(z3, posT, embp, W1, Wp, b1r, w2r, b2s):
    return pl.pallas_call(
        _dense_body,
        grid=(G,),
        in_specs=[
            pl.BlockSpec((1, 1, B), lambda g: (g, 0, 0)),
            pl.BlockSpec((3, B), lambda g: (0, g)),
            pl.BlockSpec((NZP, H), lambda g: (0, 0)),
            pl.BlockSpec((H, H), lambda g: (0, 0)),
            pl.BlockSpec((3, H), lambda g: (0, 0)),
            pl.BlockSpec((1, H), lambda g: (0, 0)),
            pl.BlockSpec((1, H), lambda g: (0, 0)),
            pl.BlockSpec(memory_space=pltpu.SMEM),
        ],
        out_specs=pl.BlockSpec((1, 1, B), lambda g: (g, 0, 0)),
        out_shape=jax.ShapeDtypeStruct((G, 1, B), jnp.float32),
    )(z3, posT, embp, W1, Wp, b1r, w2r, b2s)


def _seg_body(x_hbm, b_hbm, bn_hbm, bp_hbm, out_hbm, xv, bv, bnv, bpv, acc,
              tmp, sem):
    wid = lax.axis_index("s") * 2 + lax.axis_index("c")
    base = wid * CHUNK
    cp1 = pltpu.async_copy(x_hbm.at[pl.ds(base, CHUNK)], xv, sem)
    cp2 = pltpu.async_copy(b_hbm.at[pl.ds(base, CHUNK)], bv, sem)
    cp3 = pltpu.async_copy(bn_hbm.at[pl.ds(base, CHUNK)], bnv, sem)
    cp4 = pltpu.async_copy(bp_hbm.at[pl.ds(base, CHUNK)], bpv, sem)

    zeros16 = jnp.zeros((16,), jnp.float32)

    def zero_body(i, carry):
        acc[pl.ds(i * 16, 16)] = zeros16
        return carry

    lax.fori_loop(0, M // 16, zero_body, 0, unroll=8)
    cp1.wait()
    cp2.wait()
    cp3.wait()
    cp4.wait()

    ii = lax.broadcasted_iota(jnp.int32, (16,), 0)
    lane0 = ii == 0
    lane15 = ii == 15

    def body(i, carry):
        o = i * 16
        xvec = xv[pl.ds(o, 16)]
        b = bv[pl.ds(o, 16)]
        bn = bnv[pl.ds(o, 16)]
        bp = bpv[pl.ds(o, 16)]
        c = plsc.cumsum(xvec)
        excl = c - xvec
        last = (b != bn) | lane15
        first = (b != bp) | lane0
        plsc.store_compressed(tmp.at[...], excl, mask=first)
        y = plsc.load_expanded(tmp.at[...], mask=last)
        d = c - y
        plsc.addupdate_scatter(acc, [b], d, mask=last)
        return carry

    lax.fori_loop(0, NVEC, body, 0, unroll=4)
    pltpu.sync_copy(acc, out_hbm.at[wid])


def _segment_stage(x_flat, batch_pad, bnext, bprev):
    mesh = plsc.VectorSubcoreMesh(core_axis_name="c", subcore_axis_name="s")
    fn = pl.kernel(
        _seg_body,
        out_type=jax.ShapeDtypeStruct((NW, M), jnp.float32),
        mesh=mesh,
        compiler_params=pltpu.CompilerParams(needs_layout_passes=False),
        scratch_types=[
            pltpu.VMEM((CHUNK,), jnp.float32),
            pltpu.VMEM((CHUNK,), jnp.int32),
            pltpu.VMEM((CHUNK,), jnp.int32),
            pltpu.VMEM((CHUNK,), jnp.int32),
            pltpu.VMEM((M,), jnp.float32),
            pltpu.VMEM((16,), jnp.float32),
            pltpu.SemaphoreType.DMA,
        ],
    )
    return fn(x_flat, batch_pad, bnext, bprev)


def _combine_body(p_ref, std_ref, mean_ref, o_ref):
    o_ref[...] = (jnp.sum(p_ref[...], axis=0, keepdims=True)
                  * std_ref[0, 0] + mean_ref[0, 0])


def _combine_stage(partial, std2, mean2):
    return pl.pallas_call(
        _combine_body,
        in_specs=[
            pl.BlockSpec((NW, M), lambda: (0, 0)),
            pl.BlockSpec(memory_space=pltpu.SMEM),
            pl.BlockSpec(memory_space=pltpu.SMEM),
        ],
        out_specs=pl.BlockSpec((1, M), lambda: (0, 0)),
        out_shape=jax.ShapeDtypeStruct((1, M), jnp.float32),
    )(partial, std2, mean2)


def kernel(z, pos, batch, emb, W1, Wp, b1, W2, b2, std, mean):
    z = z.astype(jnp.int32)
    batch = batch.astype(jnp.int32)

    z3 = jnp.concatenate([z, jnp.zeros((NP - N,), jnp.int32)]).reshape(G, 1, B)
    posT = jnp.pad(pos.T, ((0, 0), (0, NP - N)))
    embp = jnp.concatenate(
        [emb, jnp.zeros((NZP - NUM_Z, H), jnp.float32)], axis=0)
    b1r = b1.reshape(1, H)
    w2r = W2.reshape(1, H)
    b2s = b2.reshape(1, 1)

    x3 = _dense_stage(z3, posT, embp, W1, Wp, b1r, w2r, b2s)
    x_flat = x3.reshape(NP)

    batch_pad = jnp.concatenate(
        [batch, jnp.full((NP - N,), M - 1, jnp.int32)])
    bnext = jnp.concatenate([batch_pad[1:], jnp.full((1,), M, jnp.int32)])
    bprev = jnp.concatenate([jnp.full((1,), -1, jnp.int32), batch_pad[:-1]])

    partial = _segment_stage(x_flat, batch_pad, bnext, bprev)

    out = _combine_stage(partial, std.reshape(1, 1), mean.reshape(1, 1))
    return out.reshape(M, 1)

# --- scband reference (transcript-rebuilt; emitter-appended) ---
"""Pipeline reference for scband-torch-md-net-49950469653229 (READ-ONLY COPY).

The authoritative reference and input builder live on the scoring server;
editing this copy changes nothing except your own understanding.
"""

import jax, jax.numpy as jnp
import numpy as np

N = 500000
H = 128
NUM_Z = 100
M = 16384

def setup_inputs(seed: int = 0) -> dict:
    key = jax.random.key(seed)
    ks = jax.random.split(key, 9)
    z = jax.random.randint(ks[0], (N,), 0, NUM_Z)
    pos = jax.random.normal(ks[1], (N, 3), dtype=jnp.float32)
    batch = jnp.sort(jax.random.randint(ks[2], (N,), 0, M))
    emb = jax.random.normal(ks[3], (NUM_Z, H), dtype=jnp.float32) * 0.1
    W1 = jax.random.normal(ks[4], (H, H), dtype=jnp.float32) * (1.0 / np.sqrt(H))
    Wp = jax.random.normal(ks[5], (3, H), dtype=jnp.float32) * (1.0 / np.sqrt(3.0))
    b1 = jnp.zeros((H,), dtype=jnp.float32)
    W2 = jax.random.normal(ks[6], (H, 1), dtype=jnp.float32) * (1.0 / np.sqrt(H))
    b2 = jnp.zeros((1,), dtype=jnp.float32)
    std = jnp.float32(1.0)
    mean = jnp.float32(0.0)
    return {"z": z, "pos": pos, "batch": batch, "emb": emb, "W1": W1, "Wp": Wp, "b1": b1, "W2": W2, "b2": b2, "std": std, "mean": mean}

def reference(z, pos, batch, emb, W1, Wp, b1, W2, b2, std, mean):
    # representation_model: per-atom embedding gather + position-conditioned MLP
    h = jnp.take(emb, z, axis=0)                      # [N, H] gather
    h = jax.nn.silu(h @ W1 + pos @ Wp + b1)           # [N, H]
    # output_model.pre_reduce: per-atom scalar energy
    x = h @ W2 + b2                                   # [N, 1]
    # scatter(x, batch, dim=0, reduce='add')
    out = jax.ops.segment_sum(x, batch, num_segments=M)  # [M, 1]
    # standardization (prior_model is None, allow_prior_model=True)
    out = out * std
    out = out + mean
    # output_model.post_reduce: identity
    return out

if __name__ == "__main__":
    import jax
    _d = setup_inputs()
    print(jax.jit(kernel)(*tuple(_d.values())))

</pallas_src>

<mosaic_0001>
#map = affine_map<(d0, d1) -> (0)>
#map1 = affine_map<(d0, d1) -> (0, 0)>
module attributes {stable_mosaic.version = 14 : i64} {
  func.func @_seg_body(%arg0: i32, %arg1: i32, %arg2: memref<507904xf32, #tpu.memory_space<hbm>>, %arg3: memref<507904xi32, #tpu.memory_space<hbm>>, %arg4: memref<507904xi32, #tpu.memory_space<hbm>>, %arg5: memref<507904xi32, #tpu.memory_space<hbm>>, %arg6: memref<32x16384xf32, #tpu.memory_space<hbm>>, %arg7: memref<15872xf32, #tpu.memory_space<vmem>>, %arg8: memref<15872xi32, #tpu.memory_space<vmem>>, %arg9: memref<15872xi32, #tpu.memory_space<vmem>>, %arg10: memref<15872xi32, #tpu.memory_space<vmem>>, %arg11: memref<16384xf32, #tpu.memory_space<vmem>>, %arg12: memref<16xf32, #tpu.memory_space<vmem>>, %arg13: memref<!tpu.dma_semaphore, #tpu.memory_space<semaphore_mem>>) attributes {dimension_semantics = [#tpu.dimension_semantics<core_parallel>, #tpu.dimension_semantics<subcore_parallel>], iteration_bounds = array<i64: 2, 16>, scalar_prefetch = 0 : i64, scratch_operands = 7 : i64, tpu.core_type = #tpu.core_type<sc_vector_subcore>, window_params = [{transform_indices = #map}, {transform_indices = #map}, {transform_indices = #map}, {transform_indices = #map}, {transform_indices = #map1}]} {
    %mul3A = arith.constant 2 : i32
    %mul3A_0 = arith.muli %arg1, %mul3A : i32
    %add3A = arith.addi %mul3A_0, %arg0 : i32
    %mul3A_1 = arith.constant 15872 : i32
    %mul3A_2 = arith.muli %add3A, %mul3A_1 : i32
    %dma_start3A = tpu.memref_slice %arg2[%mul3A_2] : memref<507904xf32, #tpu.memory_space<hbm>> -> memref<15872xf32, #tpu.memory_space<hbm>>
    %dma_start3A_3 = tpu.memref_slice %arg2[%mul3A_2] : memref<507904xf32, #tpu.memory_space<hbm>> -> memref<15872xf32, #tpu.memory_space<hbm>>
    tpu.enqueue_dma source(%dma_start3A_3 : memref<15872xf32, #tpu.memory_space<hbm>>) target(%arg7 : memref<15872xf32, #tpu.memory_space<vmem>>) target_semaphore(%arg13 : memref<!tpu.dma_semaphore, #tpu.memory_space<semaphore_mem>>)
    %dma_start3A_4 = tpu.memref_slice %arg3[%mul3A_2] : memref<507904xi32, #tpu.memory_space<hbm>> -> memref<15872xi32, #tpu.memory_space<hbm>>
    %dma_start3A_5 = tpu.memref_slice %arg3[%mul3A_2] : memref<507904xi32, #tpu.memory_space<hbm>> -> memref<15872xi32, #tpu.memory_space<hbm>>
    tpu.enqueue_dma source(%dma_start3A_5 : memref<15872xi32, #tpu.memory_space<hbm>>) target(%arg8 : memref<15872xi32, #tpu.memory_space<vmem>>) target_semaphore(%arg13 : memref<!tpu.dma_semaphore, #tpu.memory_space<semaphore_mem>>)
    %dma_start3A_6 = tpu.memref_slice %arg4[%mul3A_2] : memref<507904xi32, #tpu.memory_space<hbm>> -> memref<15872xi32, #tpu.memory_space<hbm>>
    %dma_start3A_7 = tpu.memref_slice %arg4[%mul3A_2] : memref<507904xi32, #tpu.memory_space<hbm>> -> memref<15872xi32, #tpu.memory_space<hbm>>
    tpu.enqueue_dma source(%dma_start3A_7 : memref<15872xi32, #tpu.memory_space<hbm>>) target(%arg9 : memref<15872xi32, #tpu.memory_space<vmem>>) target_semaphore(%arg13 : memref<!tpu.dma_semaphore, #tpu.memory_space<semaphore_mem>>)
    %dma_start3A_8 = tpu.memref_slice %arg5[%mul3A_2] : memref<507904xi32, #tpu.memory_space<hbm>> -> memref<15872xi32, #tpu.memory_space<hbm>>
    %dma_start3A_9 = tpu.memref_slice %arg5[%mul3A_2] : memref<507904xi32, #tpu.memory_space<hbm>> -> memref<15872xi32, #tpu.memory_space<hbm>>
    tpu.enqueue_dma source(%dma_start3A_9 : memref<15872xi32, #tpu.memory_space<hbm>>) target(%arg10 : memref<15872xi32, #tpu.memory_space<vmem>>) target_semaphore(%arg13 : memref<!tpu.dma_semaphore, #tpu.memory_space<semaphore_mem>>)
    %broadcast_in_dim3A = arith.constant 0.000000e+00 : f32
    %broadcast_in_dim3A_10 = vector.broadcast %broadcast_in_dim3A : f32 to vector<16xf32>
    %scan3A = arith.constant 0 : i32
    %scan3A_11 = arith.constant 0 : i32
    %scan3A_12 = arith.constant 1024 : i32
    %scan3A_13 = arith.addi %scan3A_11, %scan3A_12 : i32
    %scan3A_14 = arith.constant 8 : i32
    scf.for %scan3A_34 = %scan3A_11 to %scan3A_13 step %scan3A_14  : i32 {
      %mul3A_35 = arith.constant 16 : i32
      %mul3A_36 = arith.muli %scan3A_34, %mul3A_35 : i32
      %swap3A = arith.index_cast %mul3A_36 : i32 to index
      %swap3A_37 = tpu.vector_load %arg11[%swap3A] {strides = array<i32>} : memref<16384xf32, #tpu.memory_space<vmem>>, vector<16xf32>,
      tpu.vector_store %arg11[%swap3A], %broadcast_in_dim3A_10 {strides = array<i32>} : memref<16384xf32, #tpu.memory_space<vmem>>, vector<16xf32>,
      %scan3A_38 = arith.constant 1 : i32
      %scan3A_39 = arith.addi %scan3A_34, %scan3A_38 : i32
      %mul3A_40 = arith.constant 16 : i32
      %mul3A_41 = arith.muli %scan3A_39, %mul3A_40 : i32
      %swap3A_42 = arith.index_cast %mul3A_41 : i32 to index
      %swap3A_43 = tpu.vector_load %arg11[%swap3A_42] {strides = array<i32>} : memref<16384xf32, #tpu.memory_space<vmem>>, vector<16xf32>,
      tpu.vector_store %arg11[%swap3A_42], %broadcast_in_dim3A_10 {strides = array<i32>} : memref<16384xf32, #tpu.memory_space<vmem>>, vector<16xf32>,
      %scan3A_44 = arith.constant 2 : i32
      %scan3A_45 = arith.addi %scan3A_34, %scan3A_44 : i32
      %mul3A_46 = arith.constant 16 : i32
      %mul3A_47 = arith.muli %scan3A_45, %mul3A_46 : i32
      %swap3A_48 = arith.index_cast %mul3A_47 : i32 to index
      %swap3A_49 = tpu.vector_load %arg11[%swap3A_48] {strides = array<i32>} : memref<16384xf32, #tpu.memory_space<vmem>>, vector<16xf32>,
      tpu.vector_store %arg11[%swap3A_48], %broadcast_in_dim3A_10 {strides = array<i32>} : memref<16384xf32, #tpu.memory_space<vmem>>, vector<16xf32>,
      %scan3A_50 = arith.constant 3 : i32
      %scan3A_51 = arith.addi %scan3A_34, %scan3A_50 : i32
      %mul3A_52 = arith.constant 16 : i32
      %mul3A_53 = arith.muli %scan3A_51, %mul3A_52 : i32
      %swap3A_54 = arith.index_cast %mul3A_53 : i32 to index
      %swap3A_55 = tpu.vector_load %arg11[%swap3A_54] {strides = array<i32>} : memref<16384xf32, #tpu.memory_space<vmem>>, vector<16xf32>,
      tpu.vector_store %arg11[%swap3A_54], %broadcast_in_dim3A_10 {strides = array<i32>} : memref<16384xf32, #tpu.memory_space<vmem>>, vector<16xf32>,
      %scan3A_56 = arith.constant 4 : i32
      %scan3A_57 = arith.addi %scan3A_34, %scan3A_56 : i32
      %mul3A_58 = arith.constant 16 : i32
      %mul3A_59 = arith.muli %scan3A_57, %mul3A_58 : i32
      %swap3A_60 = arith.index_cast %mul3A_59 : i32 to index
      %swap3A_61 = tpu.vector_load %arg11[%swap3A_60] {strides = array<i32>} : memref<16384xf32, #tpu.memory_space<vmem>>, vector<16xf32>,
      tpu.vector_store %arg11[%swap3A_60], %broadcast_in_dim3A_10 {strides = array<i32>} : memref<16384xf32, #tpu.memory_space<vmem>>, vector<16xf32>,
      %scan3A_62 = arith.constant 5 : i32
      %scan3A_63 = arith.addi %scan3A_34, %scan3A_62 : i32
      %mul3A_64 = arith.constant 16 : i32
      %mul3A_65 = arith.muli %scan3A_63, %mul3A_64 : i32
      %swap3A_66 = arith.index_cast %mul3A_65 : i32 to index
      %swap3A_67 = tpu.vector_load %arg11[%swap3A_66] {strides = array<i32>} : memref<16384xf32, #tpu.memory_space<vmem>>, vector<16xf32>,
      tpu.vector_store %arg11[%swap3A_66], %broadcast_in_dim3A_10 {strides = array<i32>} : memref<16384xf32, #tpu.memory_space<vmem>>, vector<16xf32>,
      %scan3A_68 = arith.constant 6 : i32
      %scan3A_69 = arith.addi %scan3A_34, %scan3A_68 : i32
      %mul3A_70 = arith.constant 16 : i32
      %mul3A_71 = arith.muli %scan3A_69, %mul3A_70 : i32
      %swap3A_72 = arith.index_cast %mul3A_71 : i32 to index
      %swap3A_73 = tpu.vector_load %arg11[%swap3A_72] {strides = array<i32>} : memref<16384xf32, #tpu.memory_space<vmem>>, vector<16xf32>,
      tpu.vector_store %arg11[%swap3A_72], %broadcast_in_dim3A_10 {strides = array<i32>} : memref<16384xf32, #tpu.memory_space<vmem>>, vector<16xf32>,
      %scan3A_74 = arith.constant 7 : i32
      %scan3A_75 = arith.addi %scan3A_34, %scan3A_74 : i32
      %mul3A_76 = arith.constant 16 : i32
      %mul3A_77 = arith.muli %scan3A_75, %mul3A_76 : i32
      %swap3A_78 = arith.index_cast %mul3A_77 : i32 to index
      %swap3A_79 = tpu.vector_load %arg11[%swap3A_78] {strides = array<i32>} : memref<16384xf32, #tpu.memory_space<vmem>>, vector<16xf32>,
      tpu.vector_store %arg11[%swap3A_78], %broadcast_in_dim3A_10 {strides = array<i32>} : memref<16384xf32, #tpu.memory_space<vmem>>, vector<16xf32>,
    }
    %scan3A_15 = arith.constant 1024 : i32
    %dma_wait3A = tpu.memref_slice %arg2[%mul3A_2] : memref<507904xf32, #tpu.memory_space<hbm>> -> memref<15872xf32, #tpu.memory_space<hbm>>
    %dma_wait3A_16 = tpu.memref_slice %arg2[%mul3A_2] : memref<507904xf32, #tpu.memory_space<hbm>> -> memref<15872xf32, #tpu.memory_space<hbm>>
    tpu.wait_dma2 semaphore(%arg13 : memref<!tpu.dma_semaphore, #tpu.memory_space<semaphore_mem>>) src(%dma_wait3A_16 : memref<15872xf32, #tpu.memory_space<hbm>>) dst(%arg7 : memref<15872xf32, #tpu.memory_space<vmem>>)
    %dma_wait3A_17 = tpu.memref_slice %arg3[%mul3A_2] : memref<507904xi32, #tpu.memory_space<hbm>> -> memref<15872xi32, #tpu.memory_space<hbm>>
    %dma_wait3A_18 = tpu.memref_slice %arg3[%mul3A_2] : memref<507904xi32, #tpu.memory_space<hbm>> -> memref<15872xi32, #tpu.memory_space<hbm>>
    tpu.wait_dma2 semaphore(%arg13 : memref<!tpu.dma_semaphore, #tpu.memory_space<semaphore_mem>>) src(%dma_wait3A_18 : memref<15872xi32, #tpu.memory_space<hbm>>) dst(%arg8 : memref<15872xi32, #tpu.memory_space<vmem>>)
    %dma_wait3A_19 = tpu.memref_slice %arg4[%mul3A_2] : memref<507904xi32, #tpu.memory_space<hbm>> -> memref<15872xi32, #tpu.memory_space<hbm>>
    %dma_wait3A_20 = tpu.memref_slice %arg4[%mul3A_2] : memref<507904xi32, #tpu.memory_space<hbm>> -> memref<15872xi32, #tpu.memory_space<hbm>>
    tpu.wait_dma2 semaphore(%arg13 : memref<!tpu.dma_semaphore, #tpu.memory_space<semaphore_mem>>) src(%dma_wait3A_20 : memref<15872xi32, #tpu.memory_space<hbm>>) dst(%arg9 : memref<15872xi32, #tpu.memory_space<vmem>>)
    %dma_wait3A_21 = tpu.memref_slice %arg5[%mul3A_2] : memref<507904xi32, #tpu.memory_space<hbm>> -> memref<15872xi32, #tpu.memory_space<hbm>>
    %dma_wait3A_22 = tpu.memref_slice %arg5[%mul3A_2] : memref<507904xi32, #tpu.memory_space<hbm>> -> memref<15872xi32, #tpu.memory_space<hbm>>
    tpu.wait_dma2 semaphore(%arg13 : memref<!tpu.dma_semaphore, #tpu.memory_space<semaphore_mem>>) src(%dma_wait3A_22 : memref<15872xi32, #tpu.memory_space<hbm>>) dst(%arg10 : memref<15872xi32, #tpu.memory_space<vmem>>)
    %iota3A = tpu.iota {dimensions = array<i32: 0>} : vector<16xi32>
    %eq3A = arith.constant 0 : i32
    %eq3A_23 = vector.broadcast %eq3A : i32 to vector<16xi32>
    %eq3A_24 = arith.cmpi eq, %iota3A, %eq3A_23 : vector<16xi32>
    %eq3A_25 = arith.constant 15 : i32
    %eq3A_26 = vector.broadcast %eq3A_25 : i32 to vector<16xi32>
    %eq3A_27 = arith.cmpi eq, %iota3A, %eq3A_26 : vector<16xi32>
    %scan3A_28 = arith.constant 0 : i32
    %scan3A_29 = arith.constant 0 : i32
    %scan3A_30 = arith.constant 992 : i32
    %scan3A_31 = arith.addi %scan3A_29, %scan3A_30 : i32
    %scan3A_32 = arith.constant 4 : i32
    scf.for %scan3A_34 = %scan3A_29 to %scan3A_31 step %scan3A_32  : i32 {
      %mul3A_35 = arith.constant 16 : i32
      %mul3A_36 = arith.muli %scan3A_34, %mul3A_35 : i32
      %get3A = arith.index_cast %mul3A_36 : i32 to index
      %get3A_37 = tpu.vector_load %arg7[%get3A] {strides = array<i32>} : memref<15872xf32, #tpu.memory_space<vmem>>, vector<16xf32>,
      %get3A_38 = arith.index_cast %mul3A_36 : i32 to index
      %get3A_39 = tpu.vector_load %arg8[%get3A_38] {strides = array<i32>} : memref<15872xi32, #tpu.memory_space<vmem>>, vector<16xi32>,
      %get3A_40 = arith.index_cast %mul3A_36 : i32 to index
      %get3A_41 = tpu.vector_load %arg9[%get3A_40] {strides = array<i32>} : memref<15872xi32, #tpu.memory_space<vmem>>, vector<16xi32>,
      %get3A_42 = arith.index_cast %mul3A_36 : i32 to index
      %get3A_43 = tpu.vector_load %arg10[%get3A_42] {strides = array<i32>} : memref<15872xi32, #tpu.memory_space<vmem>>, vector<16xi32>,
      %broadcast_in_dim3A_44 = arith.constant true
      %broadcast_in_dim3A_45 = vector.broadcast %broadcast_in_dim3A_44 : i1 to vector<16xi1>
      %masked_cumsum3A = tpu.scan <sum>, %get3A_37 masked %broadcast_in_dim3A_45 : vector<16xf32>, vector<16xi1> -> vector<16xf32>
      %sub3A = arith.subf %masked_cumsum3A, %get3A_37 : vector<16xf32>
      %ne3A = arith.cmpi ne, %get3A_39, %get3A_41 : vector<16xi32>
      %or3A = arith.ori %ne3A, %eq3A_27 : vector<16xi1>
      %ne3A_46 = arith.cmpi ne, %get3A_39, %get3A_43 : vector<16xi32>
      %or3A_47 = arith.ori %ne3A_46, %eq3A_24 : vector<16xi1>
      %swap3A = arith.constant 0 : index
      %swap3A_48 = tpu.vector_load %arg12[%swap3A] masked %or3A_47 {strides = array<i32>} : memref<16xf32, #tpu.memory_space<vmem>>, vector<16xf32>, vector<16xi1>
      tpu.vector_store %arg12[%swap3A], %sub3A masked %or3A_47 {strides = array<i32>} : memref<16xf32, #tpu.memory_space<vmem>>, vector<16xf32>, vector<16xi1>
      %load3A = arith.constant 0 : index
      %load3A_49 = tpu.vector_load %arg12[%load3A] masked %or3A {strides = array<i32>} : memref<16xf32, #tpu.memory_space<vmem>>, vector<16xf32>, vector<16xi1>
      %sub3A_50 = arith.subf %masked_cumsum3A, %load3A_49 : vector<16xf32>
      tpu.vector_store_idx %arg11[%get3A_39], %sub3A_50 masked %or3A {add = true} : memref<16384xf32, #tpu.memory_space<vmem>>[vector<16xi32>], vector<16xf32>, vector<16xi1>
      %scan3A_51 = arith.constant 1 : i32
      %scan3A_52 = arith.addi %scan3A_34, %scan3A_51 : i32
      %mul3A_53 = arith.constant 16 : i32
      %mul3A_54 = arith.muli %scan3A_52, %mul3A_53 : i32
      %get3A_55 = arith.index_cast %mul3A_54 : i32 to index
      %get3A_56 = tpu.vector_load %arg7[%get3A_55] {strides = array<i32>} : memref<15872xf32, #tpu.memory_space<vmem>>, vector<16xf32>,
      %get3A_57 = arith.index_cast %mul3A_54 : i32 to index
      %get3A_58 = tpu.vector_load %arg8[%get3A_57] {strides = array<i32>} : memref<15872xi32, #tpu.memory_space<vmem>>, vector<16xi32>,
      %get3A_59 = arith.index_cast %mul3A_54 : i32 to index
      %get3A_60 = tpu.vector_load %arg9[%get3A_59] {strides = array<i32>} : memref<15872xi32, #tpu.memory_space<vmem>>, vector<16xi32>,
      %get3A_61 = arith.index_cast %mul3A_54 : i32 to index
      %get3A_62 = tpu.vector_load %arg10[%get3A_61] {strides = array<i32>} : memref<15872xi32, #tpu.memory_space<vmem>>, vector<16xi32>,
      %broadcast_in_dim3A_63 = arith.constant true
      %broadcast_in_dim3A_64 = vector.broadcast %broadcast_in_dim3A_63 : i1 to vector<16xi1>
      %masked_cumsum3A_65 = tpu.scan <sum>, %get3A_56 masked %broadcast_in_dim3A_64 : vector<16xf32>, vector<16xi1> -> vector<16xf32>
      %sub3A_66 = arith.subf %masked_cumsum3A_65, %get3A_56 : vector<16xf32>
      %ne3A_67 = arith.cmpi ne, %get3A_58, %get3A_60 : vector<16xi32>
      %or3A_68 = arith.ori %ne3A_67, %eq3A_27 : vector<16xi1>
      %ne3A_69 = arith.cmpi ne, %get3A_58, %get3A_62 : vector<16xi32>
      %or3A_70 = arith.ori %ne3A_69, %eq3A_24 : vector<16xi1>
      %swap3A_71 = arith.constant 0 : index
      %swap3A_72 = tpu.vector_load %arg12[%swap3A_71] masked %or3A_70 {strides = array<i32>} : memref<16xf32, #tpu.memory_space<vmem>>, vector<16xf32>, vector<16xi1>
      tpu.vector_store %arg12[%swap3A_71], %sub3A_66 masked %or3A_70 {strides = array<i32>} : memref<16xf32, #tpu.memory_space<vmem>>, vector<16xf32>, vector<16xi1>
      %load3A_73 = arith.constant 0 : index
      %load3A_74 = tpu.vector_load %arg12[%load3A_73] masked %or3A_68 {strides = array<i32>} : memref<16xf32, #tpu.memory_space<vmem>>, vector<16xf32>, vector<16xi1>
      %sub3A_75 = arith.subf %masked_cumsum3A_65, %load3A_74 : vector<16xf32>
      tpu.vector_store_idx %arg11[%get3A_58], %sub3A_75 masked %or3A_68 {add = true} : memref<16384xf32, #tpu.memory_space<vmem>>[vector<16xi32>], vector<16xf32>, vector<16xi1>
      %scan3A_76 = arith.constant 2 : i32
      %scan3A_77 = arith.addi %scan3A_34, %scan3A_76 : i32
      %mul3A_78 = arith.constant 16 : i32
      %mul3A_79 = arith.muli %scan3A_77, %mul3A_78 : i32
      %get3A_80 = arith.index_cast %mul3A_79 : i32 to index
      %get3A_81 = tpu.vector_load %arg7[%get3A_80] {strides = array<i32>} : memref<15872xf32, #tpu.memory_space<vmem>>, vector<16xf32>,
      %get3A_82 = arith.index_cast %mul3A_79 : i32 to index
      %get3A_83 = tpu.vector_load %arg8[%get3A_82] {strides = array<i32>} : memref<15872xi32, #tpu.memory_space<vmem>>, vector<16xi32>,
      %get3A_84 = arith.index_cast %mul3A_79 : i32 to index
      %get3A_85 = tpu.vector_load %arg9[%get3A_84] {strides = array<i32>} : memref<15872xi32, #tpu.memory_space<vmem>>, vector<16xi32>,
      %get3A_86 = arith.index_cast %mul3A_79 : i32 to index
      %get3A_87 = tpu.vector_load %arg10[%get3A_86] {strides = array<i32>} : memref<15872xi32, #tpu.memory_space<vmem>>, vector<16xi32>,
      %broadcast_in_dim3A_88 = arith.constant true
      %broadcast_in_dim3A_89 = vector.broadcast %broadcast_in_dim3A_88 : i1 to vector<16xi1>
      %masked_cumsum3A_90 = tpu.scan <sum>, %get3A_81 masked %broadcast_in_dim3A_89 : vector<16xf32>, vector<16xi1> -> vector<16xf32>
      %sub3A_91 = arith.subf %masked_cumsum3A_90, %get3A_81 : vector<16xf32>
      %ne3A_92 = arith.cmpi ne, %get3A_83, %get3A_85 : vector<16xi32>
      %or3A_93 = arith.ori %ne3A_92, %eq3A_27 : vector<16xi1>
      %ne3A_94 = arith.cmpi ne, %get3A_83, %get3A_87 : vector<16xi32>
      %or3A_95 = arith.ori %ne3A_94, %eq3A_24 : vector<16xi1>
      %swap3A_96 = arith.constant 0 : index
      %swap3A_97 = tpu.vector_load %arg12[%swap3A_96] masked %or3A_95 {strides = array<i32>} : memref<16xf32, #tpu.memory_space<vmem>>, vector<16xf32>, vector<16xi1>
      tpu.vector_store %arg12[%swap3A_96], %sub3A_91 masked %or3A_95 {strides = array<i32>} : memref<16xf32, #tpu.memory_space<vmem>>, vector<16xf32>, vector<16xi1>
      %load3A_98 = arith.constant 0 : index
      %load3A_99 = tpu.vector_load %arg12[%load3A_98] masked %or3A_93 {strides = array<i32>} : memref<16xf32, #tpu.memory_space<vmem>>, vector<16xf32>, vector<16xi1>
      %sub3A_100 = arith.subf %masked_cumsum3A_90, %load3A_99 : vector<16xf32>
      tpu.vector_store_idx %arg11[%get3A_83], %sub3A_100 masked %or3A_93 {add = true} : memref<16384xf32, #tpu.memory_space<vmem>>[vector<16xi32>], vector<16xf32>, vector<16xi1>
      %scan3A_101 = arith.constant 3 : i32
      %scan3A_102 = arith.addi %scan3A_34, %scan3A_101 : i32
      %mul3A_103 = arith.constant 16 : i32
      %mul3A_104 = arith.muli %scan3A_102, %mul3A_103 : i32
      %get3A_105 = arith.index_cast %mul3A_104 : i32 to index
      %get3A_106 = tpu.vector_load %arg7[%get3A_105] {strides = array<i32>} : memref<15872xf32, #tpu.memory_space<vmem>>, vector<16xf32>,
      %get3A_107 = arith.index_cast %mul3A_104 : i32 to index
      %get3A_108 = tpu.vector_load %arg8[%get3A_107] {strides = array<i32>} : memref<15872xi32, #tpu.memory_space<vmem>>, vector<16xi32>,
      %get3A_109 = arith.index_cast %mul3A_104 : i32 to index
      %get3A_110 = tpu.vector_load %arg9[%get3A_109] {strides = array<i32>} : memref<15872xi32, #tpu.memory_space<vmem>>, vector<16xi32>,
      %get3A_111 = arith.index_cast %mul3A_104 : i32 to index
      %get3A_112 = tpu.vector_load %arg10[%get3A_111] {strides = array<i32>} : memref<15872xi32, #tpu.memory_space<vmem>>, vector<16xi32>,
      %broadcast_in_dim3A_113 = arith.constant true
      %broadcast_in_dim3A_114 = vector.broadcast %broadcast_in_dim3A_113 : i1 to vector<16xi1>
      %masked_cumsum3A_115 = tpu.scan <sum>, %get3A_106 masked %broadcast_in_dim3A_114 : vector<16xf32>, vector<16xi1> -> vector<16xf32>
      %sub3A_116 = arith.subf %masked_cumsum3A_115, %get3A_106 : vector<16xf32>
      %ne3A_117 = arith.cmpi ne, %get3A_108, %get3A_110 : vector<16xi32>
      %or3A_118 = arith.ori %ne3A_117, %eq3A_27 : vector<16xi1>
      %ne3A_119 = arith.cmpi ne, %get3A_108, %get3A_112 : vector<16xi32>
      %or3A_120 = arith.ori %ne3A_119, %eq3A_24 : vector<16xi1>
      %swap3A_121 = arith.constant 0 : index
      %swap3A_122 = tpu.vector_load %arg12[%swap3A_121] masked %or3A_120 {strides = array<i32>} : memref<16xf32, #tpu.memory_space<vmem>>, vector<16xf32>, vector<16xi1>
      tpu.vector_store %arg12[%swap3A_121], %sub3A_116 masked %or3A_120 {strides = array<i32>} : memref<16xf32, #tpu.memory_space<vmem>>, vector<16xf32>, vector<16xi1>
      %load3A_123 = arith.constant 0 : index
      %load3A_124 = tpu.vector_load %arg12[%load3A_123] masked %or3A_118 {strides = array<i32>} : memref<16xf32, #tpu.memory_space<vmem>>, vector<16xf32>, vector<16xi1>
      %sub3A_125 = arith.subf %masked_cumsum3A_115, %load3A_124 : vector<16xf32>
      tpu.vector_store_idx %arg11[%get3A_108], %sub3A_125 masked %or3A_118 {add = true} : memref<16384xf32, #tpu.memory_space<vmem>>[vector<16xi32>], vector<16xf32>, vector<16xi1>
    }
    %scan3A_33 = arith.constant 992 : i32
    "tpu.region"() ({
      %run_scoped3A = tpu.sem_alloc : memref<!tpu.dma_semaphore, #tpu.memory_space<semaphore_mem>>
      %dma_start3A_34 = arith.constant 0 : i32
      %dma_start3A_35 = tpu.memref_slice %arg6[%add3A, %dma_start3A_34] : memref<32x16384xf32, #tpu.memory_space<hbm>> -> memref<1x16384xf32, #tpu.memory_space<hbm>>
      %dma_start3A_36 = tpu.memref_squeeze %dma_start3A_35 : memref<1x16384xf32, #tpu.memory_space<hbm>> -> memref<16384xf32, #tpu.memory_space<hbm>>
      %dma_start3A_37 = arith.constant 0 : i32
      %dma_start3A_38 = tpu.memref_slice %arg6[%add3A, %dma_start3A_37] : memref<32x16384xf32, #tpu.memory_space<hbm>> -> memref<1x16384xf32, #tpu.memory_space<hbm>>
      %dma_start3A_39 = tpu.memref_squeeze %dma_start3A_38 : memref<1x16384xf32, #tpu.memory_space<hbm>> -> memref<16384xf32, #tpu.memory_space<hbm>>
      tpu.enqueue_dma source(%arg11 : memref<16384xf32, #tpu.memory_space<vmem>>) target(%dma_start3A_39 : memref<16384xf32, #tpu.memory_space<hbm>>) target_semaphore(%run_scoped3A : memref<!tpu.dma_semaphore, #tpu.memory_space<semaphore_mem>>)
      %dma_wait3A_40 = arith.constant 0 : i32
      %dma_wait3A_41 = tpu.memref_slice %arg6[%add3A, %dma_wait3A_40] : memref<32x16384xf32, #tpu.memory_space<hbm>> -> memref<1x16384xf32, #tpu.memory_space<hbm>>
      %dma_wait3A_42 = tpu.memref_squeeze %dma_wait3A_41 : memref<1x16384xf32, #tpu.memory_space<hbm>> -> memref<16384xf32, #tpu.memory_space<hbm>>
      %dma_wait3A_43 = arith.constant 0 : i32
      %dma_wait3A_44 = tpu.memref_slice %arg6[%add3A, %dma_wait3A_43] : memref<32x16384xf32, #tpu.memory_space<hbm>> -> memref<1x16384xf32, #tpu.memory_space<hbm>>
      %dma_wait3A_45 = tpu.memref_squeeze %dma_wait3A_44 : memref<1x16384xf32, #tpu.memory_space<hbm>> -> memref<16384xf32, #tpu.memory_space<hbm>>
      tpu.wait_dma2 semaphore(%run_scoped3A : memref<!tpu.dma_semaphore, #tpu.memory_space<semaphore_mem>>) src(%arg11 : memref<16384xf32, #tpu.memory_space<vmem>>) dst(%dma_wait3A_45 : memref<16384xf32, #tpu.memory_space<hbm>>)
      tpu.yield
    }) : () -> ()
    return
  }
}

module attributes {stable_mosaic.version = 14 : i64} {
  func.func @_dense_body(%arg0: i32, %arg1: memref<1x1x8192xi32, #tpu.memory_space<vmem>>, %arg2: memref<3x8192xf32, #tpu.memory_space<vmem>>, %arg3: memref<128x128xf32, #tpu.memory_space<vmem>>, %arg4: memref<128x128xf32, #tpu.memory_space<vmem>>, %arg5: memref<3x128xf32, #tpu.memory_space<vmem>>, %arg6: memref<1x128xf32, #tpu.memory_space<vmem>>, %arg7: memref<1x128xf32, #tpu.memory_space<vmem>>, %arg8: memref<1x1xf32, #tpu.memory_space<smem>>, %arg9: memref<1x1x8192xf32, #tpu.memory_space<vmem>>) attributes {dimension_semantics = [#tpu.dimension_semantics<arbitrary>], iteration_bounds = array<i64: 62>, scalar_prefetch = 0 : i64, scratch_operands = 0 : i64, tpu.core_type = #tpu.core_type<tc>, window_params = [{transform_indices = @transform_0, window_bounds = array<i64: 1, 1, 8192>}, {transform_indices = @transform_1, window_bounds = array<i64: 3, 8192>}, {pipeline_mode = #tpu.pipeline_mode<synchronous>, transform_indices = @transform_2, window_bounds = array<i64: 128, 128>}, {pipeline_mode = #tpu.pipeline_mode<synchronous>, transform_indices = @transform_3, window_bounds = array<i64: 128, 128>}, {pipeline_mode = #tpu.pipeline_mode<synchronous>, transform_indices = @transform_4, window_bounds = array<i64: 3, 128>}, {pipeline_mode = #tpu.pipeline_mode<synchronous>, transform_indices = @transform_5, window_bounds = array<i64: 1, 128>}, {pipeline_mode = #tpu.pipeline_mode<synchronous>, transform_indices = @transform_6, window_bounds = array<i64: 1, 128>}, {transform_indices = @transform_7, window_bounds = array<i64: 1, 1>}, {transform_indices = @transform_8, window_bounds = array<i64: 1, 1, 8192>}]} {
    %get3A = arith.constant 0 : index
    %get3A_0 = arith.constant 0 : index
    %get3A_1 = vector.load %arg3[%get3A, %get3A_0] : memref<128x128xf32, #tpu.memory_space<vmem>>, vector<128x128xf32>
    %get3A_2 = arith.constant 0 : index
    %get3A_3 = arith.constant 0 : index
    %get3A_4 = vector.load %arg4[%get3A_2, %get3A_3] : memref<128x128xf32, #tpu.memory_space<vmem>>, vector<128x128xf32>
    %dot_general3A = arith.constant dense<0.000000e+00> : vector<128x128xf32>
    %dot_general3A_5 = tpu.matmul %get3A_1, %get3A_4, %dot_general3A {dimension_numbers = #tpu.dot_dimension_numbers<[1], [0], [0], [1], [0, 0, 1, 1], [], []>, transpose_lhs_hint = false} : vector<128x128xf32>, vector<128x128xf32>, vector<128x128xf32> -> vector<128x128xf32>
    %get3A_6 = arith.constant 0 : index
    %get3A_7 = arith.constant 0 : index
    %get3A_8 = vector.load %arg6[%get3A_6, %get3A_7] : memref<1x128xf32, #tpu.memory_space<vmem>>, vector<1x128xf32>
    %add3A = vector.broadcast %get3A_8 : vector<1x128xf32> to vector<128x128xf32>
    %add3A_9 = arith.addf %dot_general3A_5, %add3A : vector<128x128xf32>
    %get3A_10 = arith.constant 0 : index
    %get3A_11 = arith.constant 0 : index
    %get3A_12 = arith.constant 0 : index
    %get3A_13 = vector.load %arg1[%get3A_10, %get3A_11, %get3A_12] : memref<1x1x8192xi32, #tpu.memory_space<vmem>>, vector<1x1x8192xi32>
    %get3A_14 = vector.shape_cast %get3A_13 : vector<1x1x8192xi32> to vector<1x8192xi32>
    %convert_element_type3A = arith.trunci %get3A_14 : vector<1x8192xi32> to vector<1x8192xi16>
    %iota3A = tpu.iota {dimensions = array<i32: 0>} : vector<128x8192xi16>
    %eq3A = vector.broadcast %convert_element_type3A : vector<1x8192xi16> to vector<128x8192xi16>
    %eq3A_15 = arith.cmpi eq, %iota3A, %eq3A : vector<128x8192xi16>
    %jit3A = arith.constant 1.000000e+00 : bf16
    %jit3A_16 = arith.constant 0.000000e+00 : bf16
    %broadcast_in_dim3A = vector.broadcast %jit3A : bf16 to vector<128x8192xbf16>
    %broadcast_in_dim3A_17 = vector.broadcast %jit3A_16 : bf16 to vector<128x8192xbf16>
    %select_n3A = arith.select %eq3A_15, %broadcast_in_dim3A, %broadcast_in_dim3A_17 : vector<128x8192xi1>, vector<128x8192xbf16>
    %convert_element_type3A_18 = arith.truncf %add3A_9 : vector<128x128xf32> to vector<128x128xbf16>
    %convert_element_type3A_19 = arith.extf %convert_element_type3A_18 : vector<128x128xbf16> to vector<128x128xf32>
    %sub3A = arith.subf %add3A_9, %convert_element_type3A_19 : vector<128x128xf32>
    %convert_element_type3A_20 = arith.truncf %sub3A : vector<128x128xf32> to vector<128x128xbf16>
    %get3A_21 = arith.constant 0 : index
    %get3A_22 = arith.constant 0 : index
    %get3A_23 = vector.load %arg5[%get3A_21, %get3A_22] : memref<3x128xf32, #tpu.memory_space<vmem>>, vector<3x128xf32>
    %convert_element_type3A_24 = arith.truncf %get3A_23 : vector<3x128xf32> to vector<3x128xbf16>
    %convert_element_type3A_25 = arith.extf %convert_element_type3A_24 : vector<3x128xbf16> to vector<3x128xf32>
    %sub3A_26 = arith.subf %get3A_23, %convert_element_type3A_25 : vector<3x128xf32>
    %convert_element_type3A_27 = arith.truncf %sub3A_26 : vector<3x128xf32> to vector<3x128xbf16>
    %get3A_28 = arith.constant 0 : index
    %get3A_29 = arith.constant 0 : index
    %get3A_30 = vector.load %arg2[%get3A_28, %get3A_29] : memref<3x8192xf32, #tpu.memory_space<vmem>>, vector<3x8192xf32>
    %convert_element_type3A_31 = arith.truncf %get3A_30 : vector<3x8192xf32> to vector<3x8192xbf16>
    %convert_element_type3A_32 = arith.extf %convert_element_type3A_31 : vector<3x8192xbf16> to vector<3x8192xf32>
    %sub3A_33 = arith.subf %get3A_30, %convert_element_type3A_32 : vector<3x8192xf32>
    %convert_element_type3A_34 = arith.truncf %sub3A_33 : vector<3x8192xf32> to vector<3x8192xbf16>
    %concatenate3A = tpu.concatenate %convert_element_type3A_18, %convert_element_type3A_20, %convert_element_type3A_24, %convert_element_type3A_24, %convert_element_type3A_27 in 0 : vector<128x128xbf16>, vector<128x128xbf16>, vector<3x128xbf16>, vector<3x128xbf16>, vector<3x128xbf16> -> vector<265x128xbf16>
    %concatenate3A_35 = tpu.concatenate %select_n3A, %select_n3A, %convert_element_type3A_31, %convert_element_type3A_34, %convert_element_type3A_31 in 0 : vector<128x8192xbf16>, vector<128x8192xbf16>, vector<3x8192xbf16>, vector<3x8192xbf16>, vector<3x8192xbf16> -> vector<265x8192xbf16>
    %dot_general3A_36 = arith.constant dense<0.000000e+00> : vector<128x8192xf32>
    %dot_general3A_37 = tpu.matmul %concatenate3A, %concatenate3A_35, %dot_general3A_36 {dimension_numbers = #tpu.dot_dimension_numbers<[0], [0], [1], [1], [0, 1, 1, 1], [], []>, transpose_lhs_hint = false} : vector<265x128xbf16>, vector<265x8192xbf16>, vector<128x8192xf32> -> vector<128x8192xf32>
    %mul3A = arith.constant 5.000000e-01 : f32
    %mul3A_38 = vector.broadcast %mul3A : f32 to vector<128x8192xf32>
    %mul3A_39 = arith.mulf %dot_general3A_37, %mul3A_38 : vector<128x8192xf32>
    %tanh3A = math.tanh %mul3A_39 : vector<128x8192xf32>
    %mul3A_40 = arith.constant 5.000000e-01 : f32
    %mul3A_41 = vector.broadcast %mul3A_40 : f32 to vector<128x8192xf32>
    %mul3A_42 = arith.mulf %mul3A_41, %tanh3A : vector<128x8192xf32>
    %add3A_43 = arith.constant 5.000000e-01 : f32
    %add3A_44 = vector.broadcast %add3A_43 : f32 to vector<128x8192xf32>
    %add3A_45 = arith.addf %mul3A_42, %add3A_44 : vector<128x8192xf32>
    %mul3A_46 = arith.mulf %dot_general3A_37, %add3A_45 : vector<128x8192xf32>
    %get3A_47 = arith.constant 0 : index
    %get3A_48 = arith.constant 0 : index
    %get3A_49 = vector.load %arg7[%get3A_47, %get3A_48] : memref<1x128xf32, #tpu.memory_space<vmem>>, vector<1x128xf32>
    %dot_general3A_50 = arith.constant dense<0.000000e+00> : vector<1x8192xf32>
    %dot_general3A_51 = tpu.matmul %get3A_49, %mul3A_46, %dot_general3A_50 {dimension_numbers = #tpu.dot_dimension_numbers<[1], [0], [0], [1], [0, 0, 1, 1], [], []>, transpose_lhs_hint = false} : vector<1x128xf32>, vector<128x8192xf32>, vector<1x8192xf32> -> vector<1x8192xf32>
    %get3A_52 = arith.constant 0 : index
    %get3A_53 = arith.constant 0 : index
    %get3A_54 = memref.load %arg8[%get3A_52, %get3A_53] : memref<1x1xf32, #tpu.memory_space<smem>>
    %add3A_55 = vector.broadcast %get3A_54 : f32 to vector<1x8192xf32>
    %add3A_56 = arith.addf %dot_general3A_51, %add3A_55 : vector<1x8192xf32>
    %iota3A_57 = tpu.iota {dimensions = array<i32: 1>} : vector<1x8192xi32>
    %mul3A_58 = arith.constant 8192 : i32
    %mul3A_59 = arith.muli %arg0, %mul3A_58 : i32
    %add3A_60 = vector.broadcast %mul3A_59 : i32 to vector<1x8192xi32>
    %add3A_61 = arith.addi %iota3A_57, %add3A_60 : vector<1x8192xi32>
    %lt3A = arith.constant 500000 : i32
    %lt3A_62 = vector.broadcast %lt3A : i32 to vector<1x8192xi32>
    %lt3A_63 = arith.cmpi slt, %add3A_61, %lt3A_62 : vector<1x8192xi32>
    %jit3A_64 = arith.constant 0.000000e+00 : f32
    %broadcast_in_dim3A_65 = vector.broadcast %jit3A_64 : f32 to vector<1x8192xf32>
    %select_n3A_66 = arith.select %lt3A_63, %add3A_56, %broadcast_in_dim3A_65 : vector<1x8192xi1>, vector<1x8192xf32>
    %reshape3A = vector.shape_cast %select_n3A_66 : vector<1x8192xf32> to vector<1x1x8192xf32>
    %swap3A = arith.constant 0 : index
    %swap3A_67 = arith.constant 0 : index
    %swap3A_68 = arith.constant 0 : index
    %swap3A_69 = vector.load %arg9[%swap3A, %swap3A_67, %swap3A_68] : memref<1x1x8192xf32, #tpu.memory_space<vmem>>, vector<1x1x8192xf32>
    tpu.vector_store %arg9[%swap3A, %swap3A_67, %swap3A_68], %reshape3A {strides = array<i32>} : memref<1x1x8192xf32, #tpu.memory_space<vmem>>, vector<1x1x8192xf32>,
    return
  }
  func.func @transform_0(%arg0: i32) -> (i32, i32, i32) {
    %c0_i32 = arith.constant 0 : i32
    %c0_i32_0 = arith.constant 0 : i32
    %c0_i32_1 = arith.constant 0 : i32
    return %arg0, %c0_i32, %c0_i32_0 : i32, i32, i32
  }
  func.func @transform_1(%arg0: i32) -> (i32, i32) {
    %c0_i32 = arith.constant 0 : i32
    %c0_i32_0 = arith.constant 0 : i32
    return %c0_i32, %arg0 : i32, i32
  }
  func.func @transform_2(%arg0: i32) -> (i32, i32) {
    %c0_i32 = arith.constant 0 : i32
    %c0_i32_0 = arith.constant 0 : i32
    %c0_i32_1 = arith.constant 0 : i32
    return %c0_i32, %c0_i32_0 : i32, i32
  }
  func.func @transform_3(%arg0: i32) -> (i32, i32) {
    %c0_i32 = arith.constant 0 : i32
    %c0_i32_0 = arith.constant 0 : i32
    %c0_i32_1 = arith.constant 0 : i32
    return %c0_i32, %c0_i32_0 : i32, i32
  }
  func.func @transform_4(%arg0: i32) -> (i32, i32) {
    %c0_i32 = arith.constant 0 : i32
    %c0_i32_0 = arith.constant 0 : i32
    %c0_i32_1 = arith.constant 0 : i32
    return %c0_i32, %c0_i32_0 : i32, i32
  }
  func.func @transform_5(%arg0: i32) -> (i32, i32) {
    %c0_i32 = arith.constant 0 : i32
    %c0_i32_0 = arith.constant 0 : i32
    %c0_i32_1 = arith.constant 0 : i32
    return %c0_i32, %c0_i32_0 : i32, i32
  }
  func.func @transform_6(%arg0: i32) -> (i32, i32) {
    %c0_i32 = arith.constant 0 : i32
    %c0_i32_0 = arith.constant 0 : i32
    %c0_i32_1 = arith.constant 0 : i32
    return %c0_i32, %c0_i32_0 : i32, i32
  }
  func.func @transform_7(%arg0: i32) -> (i32, i32) {
    %c0_i32 = arith.constant 0 : i32
    %c0_i32_0 = arith.constant 0 : i32
    %c0_i32_1 = arith.constant 0 : i32
    return %c0_i32, %c0_i32_0 : i32, i32
  }
  func.func @transform_8(%arg0: i32) -> (i32, i32, i32) {
    %c0_i32 = arith.constant 0 : i32
    %c0_i32_0 = arith.constant 0 : i32
    %c0_i32_1 = arith.constant 0 : i32
    return %arg0, %c0_i32, %c0_i32_0 : i32, i32, i32
  }
}

module attributes {stable_mosaic.version = 14 : i64} {
  func.func @_combine_body(%arg0: memref<32x16384xf32, #tpu.memory_space<vmem>>, %arg1: memref<1x1xf32, #tpu.memory_space<smem>>, %arg2: memref<1x1xf32, #tpu.memory_space<smem>>, %arg3: memref<1x16384xf32, #tpu.memory_space<vmem>>) attributes {dimension_semantics = [], scalar_prefetch = 0 : i64, scratch_operands = 0 : i64, tpu.core_type = #tpu.core_type<tc>} {
    %get3A = arith.constant 0 : index
    %get3A_0 = arith.constant 0 : index
    %get3A_1 = vector.load %arg0[%get3A, %get3A_0] : memref<32x16384xf32, #tpu.memory_space<vmem>>, vector<32x16384xf32>
    %reduce_sum3A = arith.constant dense<0.000000e+00> : vector<16384xf32>
    %reduce_sum3A_2 = vector.multi_reduction <add>, %get3A_1, %reduce_sum3A [0] : vector<32x16384xf32> to vector<16384xf32>
    %broadcast_in_dim3A = vector.shape_cast %reduce_sum3A_2 : vector<16384xf32> to vector<1x16384xf32>
    %get3A_3 = arith.constant 0 : index
    %get3A_4 = arith.constant 0 : index
    %get3A_5 = memref.load %arg1[%get3A_3, %get3A_4] : memref<1x1xf32, #tpu.memory_space<smem>>
    %mul3A = vector.broadcast %get3A_5 : f32 to vector<1x16384xf32>
    %mul3A_6 = arith.mulf %broadcast_in_dim3A, %mul3A : vector<1x16384xf32>
    %get3A_7 = arith.constant 0 : index
    %get3A_8 = arith.constant 0 : index
    %get3A_9 = memref.load %arg2[%get3A_7, %get3A_8] : memref<1x1xf32, #tpu.memory_space<smem>>
    %add3A = vector.broadcast %get3A_9 : f32 to vector<1x16384xf32>
    %add3A_10 = arith.addf %mul3A_6, %add3A : vector<1x16384xf32>
    %swap3A = arith.constant 0 : index
    %swap3A_11 = arith.constant 0 : index
    %swap3A_12 = vector.load %arg3[%swap3A, %swap3A_11] : memref<1x16384xf32, #tpu.memory_space<vmem>>, vector<1x16384xf32>
    tpu.vector_store %arg3[%swap3A, %swap3A_11], %add3A_10 {strides = array<i32>} : memref<1x16384xf32, #tpu.memory_space<vmem>>, vector<1x16384xf32>,
    return
  }
}

</mosaic_0001>

<sc_bundles>
// kernel: kernel.5.cloned.1.call-start
scs
__scs_entry_jumppad:
0x0: {  	(pc) =	sbr.rel $0x88, $3  }
0x1: {  	(tag) =	ssettag $0x0;
	lr =	simm.s32 $0x1  }
0x2: {  	[smem:$0x3F96] =	sst lr;
	_ =	strace $0xD0000000  }
0x3: {  	_ = 	snop  }
0x4: {  	_ = 	snop  }
0x5: {  	_ = 	snop  }
0x6: {  	_ = 	snop  }
0x7: {  	_ = 	snop  }
__scs_overlays_trampoline_lowered:
0x8: {  	[smem:$0x3FA5] =	sst s0  }
0x9: {  	[smem:$0x3FA6] =	sst s1  }
0xa: {  	[smem:$0x3FA7] =	sst s2  }
0xb: {  	[smem:$0x3FA8] =	sst s3  }
0xc: {  	[smem:$0x3FA9] =	sst s4  }
0xd: {  	[smem:$0x3FAA] =	sst s5  }
0xe: {  	[smem:$0x3FAB] =	sst s6  }
0xf: {  	[smem:$0x3FAC] =	sst s7  }
0x10: {  	[smem:$0x3FAD] =	sst s8  }
0x11: {  	[smem:$0x3FAE] =	sst s9;
	s0 =	simm.s32 @!p0 $0x0  }
0x12: {  	s1 =	sld [smem:$0x3F94];
	s0 =	simm.s32 @p0 $0x1  }
0x13: {  	[smem:$0x3FAF] =	sst s0;
	s0 =	simm.s32 @!p1 $0x0  }
0x14: {  	s2 =	sld [smem:$0x3F93];
	s0 =	simm.s32 @p1 $0x1  }
0x15: {  	[smem:$0x3FB0] =	sst s0;
	s0 =	simm.s32 @!p2 $0x0  }
0x16: {  	s3 =	sld [smem:$0x3FDB];
	s0 =	simm.s32 @p2 $0x1  }
0x17: {  	s4 =	simm.s32 $0x1BF5;
	[smem:$0x3FB2] =	sst s0  }
0x18: {  	s0 =	sld [smem:$0x3F95];
	_ =	swait.ge [sflag:s4], $0x0  }
0x19: {  	s7 =	sld [smem:$0x3F96]  }
0x1a: {  	s8 =	sadd.s32 $0xFFFFE003, lr  }
0x1b: {  	s9 =	sadd.s32 $0xFFFFFEF7, lr;
	s5 =	simm.s32 $0xFFFFFFFF;
	p2 =	slt.u32 s8, $0xFFFFF086  }
0x1c: {  	p1 =	slt.u32 s9, $0xF7A;
	s5 =	simm.s32 @!p2 $0x0  }
0x1d: {  	s5 =	simm.s32 @p1 $0x1;
	p0 =	seq.s32 s7, s2  }
0x1e: {  	s7 =	smul.u32 @!p0 $0xF7A, s2;
	p2 =	seq.s32 @!p0 s5, $0x0  }
0x1f: {  	s9 =	smul.u32 $0xF7A, s1;
	s8 =	simm.s32 @!p0 $0x1BF5;
	p2 =	por !p2, p0  }
0x20: {  	[sflag:s8] =	ssyncset.s32 @!p0 $0xFFFFF086;
	s6 =	sadd.s32 @!p0 s3, s7;
	s7 =	simm.s32 @!p0 $0x108  }
0x21: {  	s3 =	sadd.s32 s3, s9;
	s6 =	sadd.s32 @!p0 $0x88, s6;
	s7 =	simm.s32 @p2 $0x1082  }
0x22: {  	[simem:s7], [sflag:s8] =	dma.local @!p0 [hbm:s6], $0xF7A  }
0x23: {  	s9 =	sor.u32 $0xD0000000, s2;
	s6 =	simm.s32 $0x108;
	_ =	swait.ge @!p0 [sflag:s8], $0x0  }
0x24: {  	s3 =	sadd.s32 $0x88, s3;
	s6 =	simm.s32 @!p1 $0x1082;
	[sflag:s4] =	ssyncset.s32 $0xFFFFF086  }
0x25: {  	[simem:s6], [sflag:s4] =	dma.local [hbm:s3], $0xF7A  }
0x26: {  	[smem:$0x3F96] =	sst s1;
	(tag) =	ssettag s2;
	_ =	strace s9  }
0x27: {  	s1 =	sld [smem:$0x3FA6]  }
0x28: {  	s2 =	sld [smem:$0x3FA7]  }
0x29: {  	s4 =	sld [smem:$0x3FA9]  }
0x2a: {  	p0 =	seq.s32 s5, $0x0;
	s5 =	sld [smem:$0x3FAA]  }
0x2b: {  	s6 =	sld [smem:$0x3FAB]  }
0x2c: {  	s7 =	sld [smem:$0x3FAC]  }
0x2d: {  	s3 =	simm.s32 $0x108;
	s8 =	sld [smem:$0x3FAD]  }
0x2e: {  	s3 =	simm.s32 @!p0 $0x1082;
	s9 =	sld [smem:$0x3FAE]  }
0x2f: {  	lr =	sadd.s32 s0, s3;
	s0 =	sld [smem:$0x3FA5]  }
0x30: {  	s3 =	sld [smem:$0x3FA8]  }
0x31: {  	[smem:$0x3FB1] =	sst s10  }
0x32: {  	s10 =	sld [smem:$0x3FAF];
	_ =	sdelay $0x3  }
0x33: {  	p0 =	seq.s32 s10, $0x1;
	s10 =	sld [smem:$0x3FB1];
	_ =	sdelay $0x3  }
0x34: {  	[smem:$0x3FB1] =	sst s10  }
0x35: {  	s10 =	sld [smem:$0x3FB0];
	_ =	sdelay $0x3  }
0x36: {  	p1 =	seq.s32 s10, $0x1;
	s10 =	sld [smem:$0x3FB1];
	_ =	sdelay $0x3  }
0x37: {  	[smem:$0x3FB1] =	sst s10  }
0x38: {  	s10 =	sld [smem:$0x3FB2]  }
0x39: {  	_ = 	snop;
	(pc) =	sbr.ind lr, $3  }
0x3a: {  	_ = 	snop  }
0x3b: {  	_ = 	snop  }
0x3c: {  	p2 =	seq.s32 s10, $0x1;
	s10 =	sld [smem:$0x3FB1]  }
0x3d: {  	_ =	shalt  }
0x3e: {  	_ =	shalt  }
0x3f: {  	_ =	shalt  }
0x40: {  	_ =	shalt  }
0x41: {  	_ =	shalt  }
0x42: {  	_ =	shalt  }
0x43: {  	_ =	shalt  }
0x44: {  	_ =	shalt  }
0x45: {  	_ =	shalt  }
0x46: {  	_ =	shalt  }
0x47: {  	_ =	shalt  }
0x48: {  	_ =	shalt  }
0x49: {  	_ =	shalt  }
0x4a: {  	_ =	shalt  }
0x4b: {  	_ =	shalt  }
0x4c: {  	_ =	shalt  }
0x4d: {  	_ =	shalt  }
0x4e: {  	_ =	shalt  }
0x4f: {  	_ =	shalt  }
0x50: {  	_ =	shalt  }
0x51: {  	_ =	shalt  }
0x52: {  	_ =	shalt  }
0x53: {  	_ =	shalt  }
0x54: {  	_ =	shalt  }
0x55: {  	_ =	shalt  }
0x56: {  	_ =	shalt  }
0x57: {  	_ =	shalt  }
0x58: {  	_ =	shalt  }
0x59: {  	_ =	shalt  }
0x5a: {  	_ =	shalt  }
0x5b: {  	_ =	shalt  }
0x5c: {  	_ =	shalt  }
0x5d: {  	_ =	shalt  }
0x5e: {  	_ =	shalt  }
0x5f: {  	_ =	shalt  }
0x60: {  	_ =	shalt  }
0x61: {  	_ =	shalt  }
0x62: {  	_ =	shalt  }
0x63: {  	_ =	shalt  }
0x64: {  	_ =	shalt  }
0x65: {  	_ =	shalt  }
0x66: {  	_ =	shalt  }
0x67: {  	_ =	shalt  }
0x68: {  	_ =	shalt  }
0x69: {  	_ =	shalt  }
0x6a: {  	_ =	shalt  }
0x6b: {  	_ =	shalt  }
0x6c: {  	_ =	shalt  }
0x6d: {  	_ =	shalt  }
0x6e: {  	_ =	shalt  }
0x6f: {  	_ =	shalt  }
0x70: {  	_ =	shalt  }
0x71: {  	_ =	shalt  }
0x72: {  	_ =	shalt  }
0x73: {  	_ =	shalt  }
0x74: {  	_ =	shalt  }
0x75: {  	_ =	shalt  }
0x76: {  	_ =	shalt  }
0x77: {  	_ =	shalt  }
0x78: {  	_ =	shalt  }
0x79: {  	_ =	shalt  }
0x7a: {  	_ =	shalt  }
0x7b: {  	_ =	shalt  }
0x7c: {  	_ =	shalt  }
0x7d: {  	_ =	shalt  }
0x7e: {  	_ =	shalt  }
0x7f: {  	_ =	shalt  }
0x80: {  	_ =	shalt  }
0x81: {  	_ =	shalt  }
0x82: {  	_ =	shalt  }
0x83: {  	_ =	shalt  }
0x84: {  	_ =	shalt  }
0x85: {  	_ =	shalt  }
0x86: {  	_ =	shalt  }
0x87: {  	_ =	shalt  }
.Lfunc_end0:
.L_simem_size_0:
called_computation_lowered:
.L_overlay_start_0:
0x88: {  	s2 =	sld [smem:$0x3FD9]  }
0x89: {  	s3 =	sld [smem:$0x3FFE];
	_ =	sdelay $0x1  }
0x8a: {  	s1 =	srdreg.scid  }
0x8b: {  	s0 =	sand.u32 $0x1, s1  }
0x8c: {  	s16 =	sshll.u32 s0, $0xA;
	s2 =	sadd.s32 s3, s2  }
0x8d: {  	s2 =	sadd.s32 s2, s16  }
0x8e: {  	[smem:$0x3FBD] =	sst s2  }
0x8f: {  	_ = 	snop  }
0x90: {  	(tm) =	ssettm $0x1  }
0x91: {  	s17 =	sld [smem:$0x3FFB];
	_ =	sdelay $0x3  }
0x92: {  	_ =	strace s17  }
0x93: {  	s2 =	sld [smem:$0x3FFC];
	_ =	sdelay $0x3  }
0x94: {  	_ =	strace s2  }
0x95: {  	s2 =	sld [smem:$0x3FFD];
	_ =	sdelay $0x3  }
0x96: {  	_ =	strace s2  }
0x97: {  	_ =	strace $0x8FFFFFFF  }
0x98: {  	s18 =	sld [smem:$0x3FDB];
	_ =	sdelay $0x1  }
0x99: {  	s19 =	simm.s32 $_scs_section_size  }
0x9a: {  	s4 =	simm.s32 $_size__tile_overlayer_lowered;
	s5 =	simm.s32 $_tile_overlayer_lowered  }
0x9b: {  	s22 =	simm.s32 $0x1BFF;
	s21 =	sshll.u32 s5, $0x1;
	s2 =	sadd.s32 s19, s18  }
0x9c: {  	s6 =	simm.s32 $0x0;
	s20 =	sshll.u32 s4, $0x1;
	s4 =	sadd.s32 s21, s2  }
0x9d: {  	[timem:s6], [sflag:s22] =	dma.local [hbm:s4], s20  }
0x9e: {  	_ =	swait.ge [sflag:s22], s20  }
0x9f: {  	s3 =	ssub.s32 $0x0, s20;
	[sflag:s22] =	ssyncset.done $0x0  }
0xa0: {  	[sflag:s22] =	ssyncadd.s32 s3;
	_ =	sdelay $0x1  }
0xa1: {  	s23 =	simm.s32 $0x1B8B  }
0xa2: {  	_ =	swait.ge [sflag:s23], $0x1  }
0xa3: {  	[sflag:s23] =	ssyncset.done $0x0  }
0xa4: {  	s25 =	simm.s32 $0x1B8E;
	s24 =	sld [smem:$0x3FFE];
	[sflag:s23] =	ssyncadd.s32 $0xFFFFFFFF  }
0xa5: {  	s26 =	simm.s32 $execute0_lowered;
	[smem:$0x3FD2] =	sst s25  }
0xa6: {  	s4 =	sshll.u32 s26, $0x1;
	_ =	strace $0x80000046;
	[dreg:$0x1] =	wrdreg $0xFFFFFFFF  }
0xa7: {  	s28 =	simm.s32 $_size_execute0_lowered;
	s2 =	sadd.s32 s2, s4;
	[dreg:$0x0] =	wrdreg $0x0  }
0xa8: {  	s4 =	sshll.u32 s28, $0x1;
	[dreg:$0x2] =	wrdreg s2  }
0xa9: {  	[dreg:$0x3] =	wrdreg s4  }
0xaa: {  	[dreg:$0x4] =	wrdreg $0xC0  }
0xab: {  	_ =	task [dreg:s6], $0x5FFFF  }
0xac: {  	[dreg:$0x1] =	wrdreg $0xFFFFFFFF  }
0xad: {  	[dreg:$0x0] =	wrdreg $0x60  }
0xae: {  	[dreg:$0x2] =	wrdreg s24  }
0xaf: {  	[dreg:$0x3] =	wrdreg $0x9  }
0xb0: {  	_ =	task.clear_ibuf [dreg:s6], $0x4FFFF;
	_ =	strace $0x90000046  }
0xb1: {  	s29 =	simm.s32 $0x9;
	_ =	strace $0x80000048  }
0xb2: {  	_ =	swait.ge [sflag:s29], $0x1  }
0xb3: {  	[sflag:s29] =	ssyncadd.s32 $0xFFFFFFFF  }
0xb4: {  	_ =	strace $0x90000048  }
0xb5: {  	_ =	sfence  }
0xb6: {  	s30 =	sld [smem:$0x0];
	_ =	sdelay $0x2  }
0xb7: {  	s31 =	sshll.u32 s1, $0xD;
	s1 =	sshrl.u32 s1, $0x2  }
0xb8: {  	s3 =	sand.u32 $0x4000, s31;
	s1 =	sadd.s32 s1, s30  }
0xb9: {  	s0 =	sor.u32 s3, s0;
	s1 =	sshll.u32 s1, $0x11  }
0xba: {  	s0 =	sor.u32 s1, s0  }
0xbb: {  	s0 =	sadd.s32 $0x8F2B, s0  }
0xbc: {  	[sflag:s0] =	ssyncadd.remote.s32 $0x1  }
0xbd: {  	_ =	sfence.sel $0xFFFF  }
0xbe: {  	[dreg:$0x0] =	wrdreg $0xFFFFFFFF;
	(pc) =	sbr.abs _section_cstart, $3  }
0xbf: {  	[dreg:$0x1] =	wrdreg $0xFFFFFFFF  }
0xc0: {  	_ =	task.clear_ibuf [dreg:s6], $0x2FFFF;
	_ =	strace $0x9FFFFFFF  }
0xc1: {  	(tm) =	ssettm $0x7FFFFFFF  }
tec
execute0_lowered:
.L_overlay_start_1:
0x0: {  	(tag) =	ssettag $0x1  }
0x1: {  	s1 =	srdreg.scid  }
0x2: {  	s0 =	stileid.u32;
	s3 =	rddreg [dreg:$0x0];
	s2 =	simm.s32 $0x0  }
0x3: {  	s10 =	simm.s32 $0x7C00;
	s11 =	simm.s32 $0xBA00;
	s12 =	simm.s32 $0x1  }
0x4: {  	s13 =	simm.s32 $0x13800;
	s14 =	simm.s32 $0xF800;
	s15 =	simm.s32 $0x80  }
0x5: {  	s16 =	simm.s32 $0x400;
	s17 =	simm.s32 $0x2;
	s18 =	simm.s32 $0x0  }
0x6: {  	s4 =	sand.u32 $0x1, s1;
	s5 =	sshll.u32 s0, $0x1;
	s1 =	rddreg [dreg:$0x1]  }
0x7: {  	[smem:$0x7FF] =	sst s2;
	s7 =	sshll.u32 s0, $0xC;
	s5 =	sor.u32 s4, s5  }
0x8: {  	_ =	strace $0x80000047;
	s4 =	ssub.s32 $0x2, s4;
	s7 =	sand.u32 $0xC000, s7  }
0x9: {  	s6 =	smul.u32 $0x7C0, s5;
	s8 =	sshrl.u32 s4, $0x1;
	s5 =	sshll.u32 s5, $0x4  }
0xa: {  	s7 =	sadd.s32 s7, s3;
	s8 =	ssub.s32 s4, s8;
	s9 =	sand.u32 $0x70, s5  }
0xb: {  	s6 =	sadd.s32 s6, s3;
	s7 =	sadd.s32 s9, s7;
	s8 =	smax.u32 s8, $0x1  }
0xc: {  	s9 =	simm.s32 $0x3E00;
	s3 =	sadd.s32 $0x30200, s6;
	s4 =	sadd.s32 $0x1A00, s6  }
0xd: {  	v0 =	vimm.f32 $0.0e+00;
	vm0 =	vcmask $0x3F3C;
	vm1 =	vmmov $0x1;
	s5 =	sadd.s32 $0x11200, s6;
	s6 =	sadd.s32 $0x20A00, s6;
	s7 =	sadd.s32 $0x3FA00, s7  }
.LBB2_1:
0xe: {  	[tilespmem:s2], [sflag:$0x1] =	stream.linear.gather [hbm4b:s3+s2], $0x3E00, $0x38;
	[tilespmem:$0x13880] =	vst v63  }
0xf: {  	_ = 	snop  }
0x10: {  	[tilespmem:s9], [sflag:$0x1] =	stream.linear.gather [hbm4b:s4+s2], $0x3E00, $0x38;
	[tilespmem:$0x13880] =	vst v63  }
0x11: {  	_ = 	snop  }
0x12: {  	[tilespmem:s10], [sflag:$0x1] =	stream.linear.gather [hbm4b:s5+s2], $0x3E00, $0x38;
	[tilespmem:$0x13880] =	vst v63  }
0x13: {  	s19 =	simm.s32 $0xF840  }
0x14: {  	[tilespmem:s11], [sflag:$0x1] =	stream.linear.gather [hbm4b:s6+s2], $0x3E00, $0x38;
	[tilespmem:$0x13880] =	vst v63  }
0x15: {  	[tilespmem:s19+$0xFFFFFFC0] =	vst v0  }
0x16: {  	[tilespmem:s19+$0x30] =	vst v0  }
0x17: {  	[tilespmem:s19+$0x20] =	vst v0  }
0x18: {  	[tilespmem:s19+$0x10] =	vst v0  }
0x19: {  	[tilespmem:s19+$0x0] =	vst v0  }
0x1a: {  	[tilespmem:s19+$0xFFFFFFF0] =	vst v0  }
0x1b: {  	s20 =	simm.s32 $0x0;
	[tilespmem:s19+$0xFFFFFFE0] =	vst v0  }
.LBB2_2:
0x1c: {  	s20 =	sadd.s32 $0x8, s20;
	[tilespmem:s19+$0xFFFFFFD0] =	vst v0;
	s19 =	sadd.s32 $0x80, s19  }
0x1d: {  	[tilespmem:s19+$0xFFFFFFC0] =	vst v0;
	p0 =	slt.u32 s20, $0x3F8  }
0x1e: {  	[tilespmem:s19+$0x30] =	vst v0  }
.Ltmp0:
0x1f: {  	[tilespmem:s19+$0x20] =	vst v0;
	(pc) =	sbr.rel @p0 .LBB2_2-.Ltmp0, $4  }
0x20: {  	[tilespmem:s19+$0x10] =	vst v0  }
0x21: {  	[tilespmem:s19+$0x0] =	vst v0  }
0x22: {  	[tilespmem:s19+$0xFFFFFFF0] =	vst v0  }
0x23: {  	[tilespmem:s19+$0xFFFFFFE0] =	vst v0  }
0x24: {  	[tilespmem:s19+$0xFFFFFFD0] =	vst v0  }
0x25: {  	_ =	swait.ge [sflag:s12], $0x3E00  }
0x26: {  	[sflag:s12] =	ssyncset.done $0x0  }
0x27: {  	[sflag:s12] =	ssyncadd.s32 $0xFFFFC200  }
0x28: {  	_ =	swait.ge [sflag:s12], $0x3E00  }
0x29: {  	[sflag:s12] =	ssyncset.done $0x0  }
0x2a: {  	[sflag:s12] =	ssyncadd.s32 $0xFFFFC200  }
0x2b: {  	_ =	swait.ge [sflag:s12], $0x3E00  }
0x2c: {  	[sflag:s12] =	ssyncset.done $0x0  }
0x2d: {  	[sflag:s12] =	ssyncadd.s32 $0xFFFFC200  }
0x2e: {  	_ =	swait.ge [sflag:s12], $0x3E00  }
0x2f: {  	[sflag:s12] =	ssyncset.done $0x0  }
0x30: {  	s21 =	simm.s32 $0x20;
	[sflag:s12] =	ssyncadd.s32 $0xFFFFC200  }
0x31: {  	v1 =	vld [tilespmem:s21+$0xFFFFFFE0];
	_ =	sdelay $0x4  }
0x32: {  	(xrf2) =	vadd.scan.msk.f32 $0xffff, v1;
	_ =	sdelay $0x3  }
0x33: {  	s19 =	simm.s32 $0xBA20  }
0x34: {  	s22 =	simm.s32 $0x3E20;
	v2 =	vld [tilespmem:s19+$0xFFFFFFE0]  }
0x35: {  	s20 =	simm.s32 $0x7C20;
	v3 =	vld [tilespmem:s22+$0xFFFFFFE0]  }
0x36: {  	v4 =	vld [tilespmem:s20+$0xFFFFFFE0];
	_ =	sdelay $0x2  }
0x37: {  	v5, _, _ =	vpop (xrf2)  }
0x38: {  	vm2 =	vne.s32 v3, v2;
	v1 =	vsub.f32 v5, v1  }
0x39: {  	vm3 =	vne.s32 v3, v4;
	vm2 =	vmor vm2, vm1  }
0x3a: {  	vm3 =	vmor vm3, vm0;
	[tilespmem:s13+$0x0] =	vst.msk vm2, v1  }
0x3b: {  	v1 =	vld.msk [tilespmem:$0x13800], vm3;
	_ =	sdelay $0x4  }
0x3c: {  	v1 =	vsub.f32 v5, v1;
	_ =	sdelay $0x1  }
0x3d: {  	[tilespmem:v3+s14+$0x0] =	vst.idx.add.f32.msk vm3, v1  }
0x3e: {  	v1 =	vld [tilespmem:s21+$0xFFFFFFF0];
	_ =	sdelay $0x4  }
0x3f: {  	(xrf2) =	vadd.scan.msk.f32 $0xffff, v1;
	_ =	sdelay $0x4  }
0x40: {  	v2 =	vld [tilespmem:s19+$0xFFFFFFF0]  }
0x41: {  	v3 =	vld [tilespmem:s22+$0xFFFFFFF0]  }
0x42: {  	v4 =	vld [tilespmem:s20+$0xFFFFFFF0];
	_ =	sdelay $0x2  }
0x43: {  	v5, _, _ =	vpop (xrf2)  }
0x44: {  	vm2 =	vne.s32 v3, v2;
	v1 =	vsub.f32 v5, v1  }
0x45: {  	vm3 =	vne.s32 v3, v4;
	vm2 =	vmor vm2, vm1  }
0x46: {  	vm3 =	vmor vm3, vm0;
	[tilespmem:s13+$0x0] =	vst.msk vm2, v1  }
0x47: {  	v1 =	vld.msk [tilespmem:$0x13800], vm3;
	_ =	sdelay $0x4  }
0x48: {  	v1 =	vsub.f32 v5, v1;
	_ =	sdelay $0x1  }
0x49: {  	[tilespmem:v3+s14+$0x0] =	vst.idx.add.f32.msk vm3, v1  }
0x4a: {  	v1 =	vld [tilespmem:s21+$0x0];
	_ =	sdelay $0x4  }
0x4b: {  	(xrf2) =	vadd.scan.msk.f32 $0xffff, v1;
	_ =	sdelay $0x4  }
0x4c: {  	v2 =	vld [tilespmem:s19+$0x0]  }
0x4d: {  	v3 =	vld [tilespmem:s22+$0x0]  }
0x4e: {  	v4 =	vld [tilespmem:s20+$0x0];
	_ =	sdelay $0x2  }
0x4f: {  	v5, _, _ =	vpop (xrf2)  }
0x50: {  	vm2 =	vne.s32 v3, v2;
	v1 =	vsub.f32 v5, v1  }
0x51: {  	vm3 =	vne.s32 v3, v4;
	vm2 =	vmor vm2, vm1  }
0x52: {  	vm3 =	vmor vm3, vm0;
	[tilespmem:s13+$0x0] =	vst.msk vm2, v1  }
0x53: {  	v1 =	vld.msk [tilespmem:$0x13800], vm3;
	_ =	sdelay $0x4  }
0x54: {  	v1 =	vsub.f32 v5, v1;
	_ =	sdelay $0x1  }
0x55: {  	[tilespmem:v3+s14+$0x0] =	vst.idx.add.f32.msk vm3, v1  }
0x56: {  	v2 =	vld [tilespmem:s21+$0x10];
	_ =	sdelay $0x2  }
0x57: {  	v1 =	vld [tilespmem:s22+$0x10]  }
0x58: {  	v4 =	vld [tilespmem:s19+$0x10]  }
0x59: {  	s23 =	simm.s32 $0x60;
	s21 =	simm.s32 $0x0;
	v3 =	vld [tilespmem:s20+$0x10];
	s22 =	simm.s32 $0x3E60;
	(xrf2) =	vadd.scan.msk.f32 $0xffff, v2  }
.LBB2_4:
0x5a: {  	s21 =	sadd.s32 $0x4, s21;
	s19 =	sadd.s32 $0x40, s19;
	s20 =	sadd.s32 $0x40, s20  }
0x5b: {  	p0 =	slt.u32 s21, $0x3DC;
	_ =	sdelay $0x7  }
0x5c: {  	vm2 =	vne.s32 v1, v4;
	v4, _, _ =	vpop (xrf2)  }
0x5d: {  	vm3 =	vne.s32 v1, v3;
	vm2 =	vmor vm2, vm1;
	v2 =	vsub.f32 v4, v2  }
0x5e: {  	vm3 =	vmor vm3, vm0  }
0x5f: {  	[tilespmem:s13+$0x0] =	vst.msk vm2, v2  }
0x60: {  	v2 =	vld.msk [tilespmem:$0x13800], vm3;
	_ =	sdelay $0x4  }
0x61: {  	v2 =	vsub.f32 v4, v2;
	_ =	sdelay $0x1  }
0x62: {  	[tilespmem:v1+s14+$0x0] =	vst.idx.add.f32.msk vm3, v2  }
0x63: {  	v1 =	vld [tilespmem:s23+$0xFFFFFFE0];
	_ =	sdelay $0x4  }
0x64: {  	(xrf2) =	vadd.scan.msk.f32 $0xffff, v1;
	_ =	sdelay $0x2  }
0x65: {  	v2 =	vld [tilespmem:s20+$0xFFFFFFE0]  }
0x66: {  	v3 =	vld [tilespmem:s19+$0xFFFFFFE0]  }
0x67: {  	v4 =	vld [tilespmem:s22+$0xFFFFFFE0];
	_ =	sdelay $0x4  }
0x68: {  	vm2 =	vne.s32 v4, v2;
	vm3 =	vne.s32 v4, v3;
	v2, _, _ =	vpop (xrf2)  }
0x69: {  	v1 =	vsub.f32 v2, v1;
	vm3 =	vmor vm3, vm1  }
0x6a: {  	vm2 =	vmor vm2, vm0  }
0x6b: {  	[tilespmem:s13+$0x0] =	vst.msk vm3, v1  }
0x6c: {  	v1 =	vld.msk [tilespmem:$0x13800], vm2;
	_ =	sdelay $0x4  }
0x6d: {  	v1 =	vsub.f32 v2, v1;
	_ =	sdelay $0x1  }
0x6e: {  	[tilespmem:v4+s14+$0x0] =	vst.idx.add.f32.msk vm2, v1  }
0x6f: {  	v1 =	vld [tilespmem:s23+$0xFFFFFFF0];
	_ =	sdelay $0x4  }
0x70: {  	(xrf2) =	vadd.scan.msk.f32 $0xffff, v1;
	_ =	sdelay $0x3  }
0x71: {  	v2 =	vld [tilespmem:s19+$0xFFFFFFF0]  }
0x72: {  	v3 =	vld [tilespmem:s22+$0xFFFFFFF0]  }
0x73: {  	v4 =	vld [tilespmem:s20+$0xFFFFFFF0];
	_ =	sdelay $0x3  }
0x74: {  	vm2 =	vne.s32 v3, v2;
	v2, _, _ =	vpop (xrf2)  }
0x75: {  	v1 =	vsub.f32 v2, v1;
	vm3 =	vne.s32 v3, v4;
	vm2 =	vmor vm2, vm1  }
0x76: {  	vm3 =	vmor vm3, vm0  }
0x77: {  	[tilespmem:s13+$0x0] =	vst.msk vm2, v1  }
0x78: {  	v1 =	vld.msk [tilespmem:$0x13800], vm3;
	_ =	sdelay $0x4  }
0x79: {  	v1 =	vsub.f32 v2, v1;
	_ =	sdelay $0x1  }
0x7a: {  	[tilespmem:v3+s14+$0x0] =	vst.idx.add.f32.msk vm3, v1  }
0x7b: {  	v1 =	vld [tilespmem:s23+$0x0];
	_ =	sdelay $0x4  }
0x7c: {  	(xrf2) =	vadd.scan.msk.f32 $0xffff, v1;
	_ =	sdelay $0x3  }
0x7d: {  	v2 =	vld [tilespmem:s19+$0x0]  }
0x7e: {  	v3 =	vld [tilespmem:s22+$0x0]  }
0x7f: {  	v4 =	vld [tilespmem:s20+$0x0];
	_ =	sdelay $0x3  }
0x80: {  	vm2 =	vne.s32 v3, v2;
	v2, _, _ =	vpop (xrf2)  }
0x81: {  	v1 =	vsub.f32 v2, v1;
	vm3 =	vne.s32 v3, v4;
	vm2 =	vmor vm2, vm1  }
0x82: {  	vm3 =	vmor vm3, vm0  }
0x83: {  	[tilespmem:s13+$0x0] =	vst.msk vm2, v1  }
0x84: {  	v1 =	vld.msk [tilespmem:$0x13800], vm3;
	_ =	sdelay $0x4  }
0x85: {  	v1 =	vsub.f32 v2, v1;
	_ =	sdelay $0x1  }
0x86: {  	[tilespmem:v3+s14+$0x0] =	vst.idx.add.f32.msk vm3, v1  }
0x87: {  	v2 =	vld [tilespmem:s23+$0x10]  }
.Ltmp1:
0x88: {  	v1 =	vld [tilespmem:s22+$0x10];
	(pc) =	sbr.rel @p0 .LBB2_4-.Ltmp1, $3  }
0x89: {  	v4 =	vld [tilespmem:s19+$0x10]  }
0x8a: {  	v3 =	vld [tilespmem:s20+$0x10];
	_ =	sdelay $0x1  }
0x8b: {  	s23 =	sadd.s32 $0x40, s23;
	s22 =	sadd.s32 $0x40, s22;
	(xrf2) =	vadd.scan.msk.f32 $0xffff, v2  }
0x8c: {  	_ =	sdelay $0x8  }
0x8d: {  	v5, _, _ =	vpop (xrf2)  }
0x8e: {  	vm2 =	vne.s32 v1, v4;
	v2 =	vsub.f32 v5, v2  }
0x8f: {  	vm3 =	vne.s32 v1, v3;
	vm2 =	vmor vm2, vm1  }
0x90: {  	vm3 =	vmor vm3, vm0;
	[tilespmem:s13+$0x0] =	vst.msk vm2, v2  }
0x91: {  	v2 =	vld.msk [tilespmem:$0x13800], vm3;
	_ =	sdelay $0x4  }
0x92: {  	s18 =	sadd.s32 $0x1, s18;
	v2 =	vsub.f32 v5, v2  }
0x93: {  	p0 =	sne.s32 s18, s8  }
.Ltmp2:
0x94: {  	[tilespmem:v1+s14+$0x0] =	vst.idx.add.f32.msk vm3, v2;
	(pc) =	sbr.rel @p0 .LBB2_1-.Ltmp2, $4  }
0x95: {  	[hbm4b:s7+s15] =	stream.strided.scatter [tilespmem:s14], [sflag:$0x2], $0x4000, s16, s15, $0x38;
	[tilespmem:$0x13880] =	vst v63  }
0x96: {  	_ =	swait.ge [sflag:s17], $0x4000  }
0x97: {  	[sflag:s17] =	ssyncset.done $0x0  }
0x98: {  	[sflag:s17] =	ssyncadd.s32 $0xFFFFC000  }
0x99: {  	_ =	sfence.sel $0x180000  }
0x9a: {  	[bflag:$0x0] =	sbarrier.arrive $0xFFFF  }
0x9b: {  	p0 =	sne.s32 s0, $0x0;
	_ =	strace $0x90000047  }
0x9c: {  	s0 =	sadd.s32 @!p0 $0x100000, s1;
	[bflag:$0x2] =	sbarrier.arrive $0xFFFF  }
0x9d: {  	[sflag:s0] =	ssyncadd.tile.s32 @!p0 $0x1;
	_ =	shalt  }
.Lfunc_end2:
_tile_overlayer_lowered:
.L_overlay_start_2:
0x9e: {  	(tag) =	ssettag $0x2  }
0x9f: {  	s0 =	rddreg [dreg:$0x0];
	s2 =	stileid.u32  }
0xa0: {  	s1 =	rddreg [dreg:$0x1];
	p0 =	sne.s32 s2, $0x0  }
0xa1: {  	s3 =	rddreg [dreg:$0x2];
	[bflag:$0x3] =	sbarrier.arrive $0xFFFF;
	s2 =	simm.s32 @!p0 $0x1C02  }
0xa2: {  	[timem:s3], [sflag:s2] =	dma.local @!p0 [hbm:s0], s1  }
0xa3: {  	s0 =	simm.s32 @!p0 $0x2  }
0xa4: {  	_ =	swait.ge @!p0 [sflag:s0], s1  }
0xa5: {  	s1 =	ssub.s32 @!p0 $0x0, s1;
	[sflag:s0] =	ssyncset.done @!p0 $0x0  }
0xa6: {  	[sflag:s0] =	ssyncadd.s32 @!p0 s1  }
0xa7: {  	[bflag:$0x3] =	sbarrier.arrive $0xFFFF  }
0xa8: {  	_ =	shalt  }

</sc_bundles>
